<compile_context>
chip_gen: v7x
topology: tpu7x:2x2x1
jax: 0.10.2.dev20260603
libtpu: 0.0.44.dev20260713+nightly
codegen_flags: <defaults>
</compile_context>

<pallas_src>
import jax
import jax.numpy as jnp
from jax import lax
from jax.experimental import pallas as pl
from jax.experimental.pallas import tpu as pltpu
from jax.experimental.pallas import tpu_sc as plsc

_B = 16384
_E = 128
_NC, _NS = 2, 16
_NW = _NC * _NS
_BPW = _B // _NW
_CH = 128
_NCH = _BPW // _CH


def _sc_gather_body(u_idx, m_idx, u_tab, m_tab, out_u, out_m,
                    idx_v, rows_v, sem):
    wid = lax.axis_index("s") * _NC + lax.axis_index("c")
    base = wid * _BPW

    def one_table(idx_hbm, tab_hbm, out_hbm):
        pltpu.sync_copy(idx_hbm.at[pl.ds(wid * _NCH, _NCH)], idx_v)
        copies = [
            pltpu.async_copy(tab_hbm.at[idx_v.at[j]],
                             rows_v.at[pl.ds(j * _CH, _CH)], sem)
            for j in range(_NCH)
        ]
        for c in copies:
            c.wait()
        pltpu.sync_copy(rows_v, out_hbm.at[pl.ds(base, _BPW)])

    one_table(u_idx, u_tab, out_u)
    one_table(m_idx, m_tab, out_m)


def _make_sc_gather():
    return pl.kernel(
        _sc_gather_body,
        out_type=(jax.ShapeDtypeStruct((_B, _E), jnp.float32),
                  jax.ShapeDtypeStruct((_B, _E), jnp.float32)),
        mesh=plsc.VectorSubcoreMesh(core_axis_name="c", subcore_axis_name="s",
                                    num_cores=_NC, num_subcores=_NS),
        scratch_types=[
            pltpu.VMEM((_NCH, _CH), jnp.int32),
            pltpu.VMEM((_BPW, _E), jnp.float32),
            pltpu.SemaphoreType.DMA,
        ],
    )


_BLK = 4096


def _mlp_body(ue, me, w1a, w1b, b1, w2, b2, w3, b3, out):
    x = jnp.dot(ue[...], w1a[...], preferred_element_type=jnp.float32)
    x = x + jnp.dot(me[...], w1b[...], preferred_element_type=jnp.float32)
    x = jnp.maximum(x + b1[...], 0.0)
    x = jnp.maximum(
        jnp.dot(x, w2[...], preferred_element_type=jnp.float32) + b2[...], 0.0)
    out[...] = jnp.dot(x, w3[...], preferred_element_type=jnp.float32) + b3[...]


def _mlp_call(ue, me, w1a, w1b, b1, w2, b2, w3, b3):
    grid = (_B // _BLK,)
    wspec = lambda shape: pl.BlockSpec(shape, lambda i: (0, 0))
    return pl.pallas_call(
        _mlp_body,
        grid=grid,
        in_specs=[
            pl.BlockSpec((_BLK, _E), lambda i: (i, 0)),
            pl.BlockSpec((_BLK, _E), lambda i: (i, 0)),
            wspec((_E, 128)),
            wspec((_E, 128)),
            wspec((1, 128)),
            wspec((128, 64)),
            wspec((1, 64)),
            wspec((64, 1)),
            wspec((1, 1)),
        ],
        out_specs=pl.BlockSpec((_BLK, 1), lambda i: (i, 0)),
        out_shape=jax.ShapeDtypeStruct((_B, 1), jnp.float32),
    )(ue, me, w1a, w1b, b1, w2, b2, w3, b3)


def kernel(user, movie, user_table, movie_table, W1, b1, W2, b2, W3, b3):
    u2 = user.reshape(_B // _CH, _CH)
    m2 = movie.reshape(_B // _CH, _CH)
    ue, me = _make_sc_gather()(u2, m2, user_table, movie_table)
    out = _mlp_call(ue, me, W1[:_E], W1[_E:], b1.reshape(1, -1),
                    W2, b2.reshape(1, -1), W3, b3.reshape(1, 1))
    return out[:, 0]

# --- scband reference (transcript-rebuilt; emitter-appended) ---
"""Pipeline reference for scband-deep-recommender-61280593379527 (READ-ONLY COPY).

The authoritative reference and input builder live on the scoring server;
editing this copy changes nothing except your own understanding.
"""

import jax, jax.numpy as jnp
import numpy as np

NUM_USERS = 100000
NUM_MOVIES = 100000
EMBED = 128
BATCH = 16384

def setup_inputs(seed: int = 0) -> dict:
    key = jax.random.key(seed)
    ks = jax.random.split(key, 12)
    user = jax.random.randint(ks[0], (BATCH,), 0, NUM_USERS, dtype=jnp.int64) if jax.config.jax_enable_x64 else jax.random.randint(ks[0], (BATCH,), 0, NUM_USERS).astype(jnp.int32)
    movie = jax.random.randint(ks[1], (BATCH,), 0, NUM_MOVIES).astype(jnp.int32)
    user = user.astype(jnp.int32)
    user_table = jax.random.normal(ks[2], (NUM_USERS, EMBED), dtype=jnp.float32)
    movie_table = jax.random.normal(ks[3], (NUM_MOVIES, EMBED), dtype=jnp.float32)
    W1 = jax.random.normal(ks[4], (2 * EMBED, 128), dtype=jnp.float32) * (1.0 / np.sqrt(2 * EMBED))
    b1 = jnp.zeros((128,), dtype=jnp.float32)
    W2 = jax.random.normal(ks[5], (128, 64), dtype=jnp.float32) * (1.0 / np.sqrt(128))
    b2 = jnp.zeros((64,), dtype=jnp.float32)
    W3 = jax.random.normal(ks[6], (64, 1), dtype=jnp.float32) * (1.0 / np.sqrt(64))
    b3 = jnp.zeros((1,), dtype=jnp.float32)
    return {"user": user, "movie": movie, "user_table": user_table, "movie_table": movie_table,
            "W1": W1, "b1": b1, "W2": W2, "b2": b2, "W3": W3, "b3": b3}

def reference(user, movie, user_table, movie_table, W1, b1, W2, b2, W3, b3):
    user_emb = jnp.take(user_table, user, axis=0)
    movie_emb = jnp.take(movie_table, movie, axis=0)
    x = jnp.concatenate([user_emb, movie_emb], axis=1)
    x = jax.nn.relu(x @ W1 + b1)
    x = jax.nn.relu(x @ W2 + b2)
    x = x @ W3 + b3
    return jnp.squeeze(x, axis=-1)

if __name__ == "__main__":
    import jax
    _d = setup_inputs()
    print(jax.jit(kernel)(*tuple(_d.values())))

</pallas_src>

<mosaic_0001>
#map = affine_map<(d0, d1) -> (0, 0)>
module attributes {stable_mosaic.version = 14 : i64} {
  func.func @_sc_gather_body(%arg0: i32, %arg1: i32, %arg2: memref<128x128xi32, #tpu.memory_space<hbm>>, %arg3: memref<128x128xi32, #tpu.memory_space<hbm>>, %arg4: memref<100000x128xf32, #tpu.memory_space<hbm>>, %arg5: memref<100000x128xf32, #tpu.memory_space<hbm>>, %arg6: memref<16384x128xf32, #tpu.memory_space<hbm>>, %arg7: memref<16384x128xf32, #tpu.memory_space<hbm>>, %arg8: memref<4x128xi32, #tpu.memory_space<vmem>>, %arg9: memref<512x128xf32, #tpu.memory_space<vmem>>, %arg10: memref<!tpu.dma_semaphore, #tpu.memory_space<semaphore_mem>>) attributes {dimension_semantics = [#tpu.dimension_semantics<core_parallel>, #tpu.dimension_semantics<subcore_parallel>], iteration_bounds = array<i64: 2, 16>, scalar_prefetch = 0 : i64, scratch_operands = 3 : i64, tpu.core_type = #tpu.core_type<sc_vector_subcore>, window_params = [{transform_indices = #map}, {transform_indices = #map}, {transform_indices = #map}, {transform_indices = #map}, {transform_indices = #map}, {transform_indices = #map}]} {
    %mul3A = arith.constant 2 : i32
    %mul3A_0 = arith.muli %arg1, %mul3A : i32
    %add3A = arith.addi %mul3A_0, %arg0 : i32
    %mul3A_1 = arith.constant 512 : i32
    %mul3A_2 = arith.muli %add3A, %mul3A_1 : i32
    %mul3A_3 = arith.constant 4 : i32
    %mul3A_4 = arith.muli %add3A, %mul3A_3 : i32
    "tpu.region"() ({
      %run_scoped3A = tpu.sem_alloc : memref<!tpu.dma_semaphore, #tpu.memory_space<semaphore_mem>>
      %dma_start3A_165 = arith.constant 0 : i32
      %dma_start3A_166 = tpu.memref_slice %arg2[%mul3A_4, %dma_start3A_165] : memref<128x128xi32, #tpu.memory_space<hbm>> -> memref<4x128xi32, #tpu.memory_space<hbm>>
      %dma_start3A_167 = arith.constant 0 : i32
      %dma_start3A_168 = tpu.memref_slice %arg2[%mul3A_4, %dma_start3A_167] : memref<128x128xi32, #tpu.memory_space<hbm>> -> memref<4x128xi32, #tpu.memory_space<hbm>>
      tpu.enqueue_dma source(%dma_start3A_168 : memref<4x128xi32, #tpu.memory_space<hbm>>) target(%arg8 : memref<4x128xi32, #tpu.memory_space<vmem>>) target_semaphore(%run_scoped3A : memref<!tpu.dma_semaphore, #tpu.memory_space<semaphore_mem>>)
      %dma_wait3A_169 = arith.constant 0 : i32
      %dma_wait3A_170 = tpu.memref_slice %arg2[%mul3A_4, %dma_wait3A_169] : memref<128x128xi32, #tpu.memory_space<hbm>> -> memref<4x128xi32, #tpu.memory_space<hbm>>
      %dma_wait3A_171 = arith.constant 0 : i32
      %dma_wait3A_172 = tpu.memref_slice %arg2[%mul3A_4, %dma_wait3A_171] : memref<128x128xi32, #tpu.memory_space<hbm>> -> memref<4x128xi32, #tpu.memory_space<hbm>>
      tpu.wait_dma2 semaphore(%run_scoped3A : memref<!tpu.dma_semaphore, #tpu.memory_space<semaphore_mem>>) src(%dma_wait3A_172 : memref<4x128xi32, #tpu.memory_space<hbm>>) dst(%arg8 : memref<4x128xi32, #tpu.memory_space<vmem>>)
      tpu.yield
    }) : () -> ()
    %dma_start3A = arith.constant 0 : i32
    %dma_start3A_5 = arith.constant 0 : i32
    %dma_start3A_6 = arith.constant 0 : i32
    %dma_start3A_7 = tpu.memref_slice %arg9[%dma_start3A_5, %dma_start3A_6] : memref<512x128xf32, #tpu.memory_space<vmem>> -> memref<128x128xf32, #tpu.memory_space<vmem>>
    %dma_start3A_8 = arith.constant 0 : i32
    %dma_start3A_9 = tpu.memref_slice %arg8[%dma_start3A, %dma_start3A_8] : memref<4x128xi32, #tpu.memory_space<vmem>> -> memref<1x128xi32, #tpu.memory_space<vmem>>
    %dma_start3A_10 = tpu.memref_squeeze %dma_start3A_9 : memref<1x128xi32, #tpu.memory_space<vmem>> -> memref<128xi32, #tpu.memory_space<vmem>>
    %dma_start3A_11 = arith.constant 0 : i32
    %dma_start3A_12 = arith.constant 0 : i32
    %dma_start3A_13 = tpu.memref_slice %arg4[%dma_start3A_11, %dma_start3A_12] : memref<100000x128xf32, #tpu.memory_space<hbm>> -> memref<100000x128xf32, #tpu.memory_space<hbm>>
    tpu.enqueue_indirect_dma source(%dma_start3A_13 : memref<100000x128xf32, #tpu.memory_space<hbm>>) target(%dma_start3A_7 : memref<128x128xf32, #tpu.memory_space<vmem>>) offsets(%dma_start3A_10 : memref<128xi32, #tpu.memory_space<vmem>>) semaphore(%arg10 : memref<!tpu.dma_semaphore, #tpu.memory_space<semaphore_mem>>)
    %dma_start3A_14 = arith.constant 1 : i32
    %dma_start3A_15 = arith.constant 128 : i32
    %dma_start3A_16 = arith.constant 0 : i32
    %dma_start3A_17 = tpu.memref_slice %arg9[%dma_start3A_15, %dma_start3A_16] : memref<512x128xf32, #tpu.memory_space<vmem>> -> memref<128x128xf32, #tpu.memory_space<vmem>>
    %dma_start3A_18 = arith.constant 0 : i32
    %dma_start3A_19 = tpu.memref_slice %arg8[%dma_start3A_14, %dma_start3A_18] : memref<4x128xi32, #tpu.memory_space<vmem>> -> memref<1x128xi32, #tpu.memory_space<vmem>>
    %dma_start3A_20 = tpu.memref_squeeze %dma_start3A_19 : memref<1x128xi32, #tpu.memory_space<vmem>> -> memref<128xi32, #tpu.memory_space<vmem>>
    %dma_start3A_21 = arith.constant 0 : i32
    %dma_start3A_22 = arith.constant 0 : i32
    %dma_start3A_23 = tpu.memref_slice %arg4[%dma_start3A_21, %dma_start3A_22] : memref<100000x128xf32, #tpu.memory_space<hbm>> -> memref<100000x128xf32, #tpu.memory_space<hbm>>
    tpu.enqueue_indirect_dma source(%dma_start3A_23 : memref<100000x128xf32, #tpu.memory_space<hbm>>) target(%dma_start3A_17 : memref<128x128xf32, #tpu.memory_space<vmem>>) offsets(%dma_start3A_20 : memref<128xi32, #tpu.memory_space<vmem>>) semaphore(%arg10 : memref<!tpu.dma_semaphore, #tpu.memory_space<semaphore_mem>>)
    %dma_start3A_24 = arith.constant 2 : i32
    %dma_start3A_25 = arith.constant 256 : i32
    %dma_start3A_26 = arith.constant 0 : i32
    %dma_start3A_27 = tpu.memref_slice %arg9[%dma_start3A_25, %dma_start3A_26] : memref<512x128xf32, #tpu.memory_space<vmem>> -> memref<128x128xf32, #tpu.memory_space<vmem>>
    %dma_start3A_28 = arith.constant 0 : i32
    %dma_start3A_29 = tpu.memref_slice %arg8[%dma_start3A_24, %dma_start3A_28] : memref<4x128xi32, #tpu.memory_space<vmem>> -> memref<1x128xi32, #tpu.memory_space<vmem>>
    %dma_start3A_30 = tpu.memref_squeeze %dma_start3A_29 : memref<1x128xi32, #tpu.memory_space<vmem>> -> memref<128xi32, #tpu.memory_space<vmem>>
    %dma_start3A_31 = arith.constant 0 : i32
    %dma_start3A_32 = arith.constant 0 : i32
    %dma_start3A_33 = tpu.memref_slice %arg4[%dma_start3A_31, %dma_start3A_32] : memref<100000x128xf32, #tpu.memory_space<hbm>> -> memref<100000x128xf32, #tpu.memory_space<hbm>>
    tpu.enqueue_indirect_dma source(%dma_start3A_33 : memref<100000x128xf32, #tpu.memory_space<hbm>>) target(%dma_start3A_27 : memref<128x128xf32, #tpu.memory_space<vmem>>) offsets(%dma_start3A_30 : memref<128xi32, #tpu.memory_space<vmem>>) semaphore(%arg10 : memref<!tpu.dma_semaphore, #tpu.memory_space<semaphore_mem>>)
    %dma_start3A_34 = arith.constant 3 : i32
    %dma_start3A_35 = arith.constant 384 : i32
    %dma_start3A_36 = arith.constant 0 : i32
    %dma_start3A_37 = tpu.memref_slice %arg9[%dma_start3A_35, %dma_start3A_36] : memref<512x128xf32, #tpu.memory_space<vmem>> -> memref<128x128xf32, #tpu.memory_space<vmem>>
    %dma_start3A_38 = arith.constant 0 : i32
    %dma_start3A_39 = tpu.memref_slice %arg8[%dma_start3A_34, %dma_start3A_38] : memref<4x128xi32, #tpu.memory_space<vmem>> -> memref<1x128xi32, #tpu.memory_space<vmem>>
    %dma_start3A_40 = tpu.memref_squeeze %dma_start3A_39 : memref<1x128xi32, #tpu.memory_space<vmem>> -> memref<128xi32, #tpu.memory_space<vmem>>
    %dma_start3A_41 = arith.constant 0 : i32
    %dma_start3A_42 = arith.constant 0 : i32
    %dma_start3A_43 = tpu.memref_slice %arg4[%dma_start3A_41, %dma_start3A_42] : memref<100000x128xf32, #tpu.memory_space<hbm>> -> memref<100000x128xf32, #tpu.memory_space<hbm>>
    tpu.enqueue_indirect_dma source(%dma_start3A_43 : memref<100000x128xf32, #tpu.memory_space<hbm>>) target(%dma_start3A_37 : memref<128x128xf32, #tpu.memory_space<vmem>>) offsets(%dma_start3A_40 : memref<128xi32, #tpu.memory_space<vmem>>) semaphore(%arg10 : memref<!tpu.dma_semaphore, #tpu.memory_space<semaphore_mem>>)
    %dma_wait3A = arith.constant 0 : i32
    %dma_wait3A_44 = arith.constant 0 : i32
    %dma_wait3A_45 = arith.constant 0 : i32
    %dma_wait3A_46 = tpu.memref_slice %arg9[%dma_wait3A_44, %dma_wait3A_45] : memref<512x128xf32, #tpu.memory_space<vmem>> -> memref<128x128xf32, #tpu.memory_space<vmem>>
    %dma_wait3A_47 = arith.constant 0 : i32
    %dma_wait3A_48 = tpu.memref_slice %arg8[%dma_wait3A, %dma_wait3A_47] : memref<4x128xi32, #tpu.memory_space<vmem>> -> memref<1x128xi32, #tpu.memory_space<vmem>>
    %dma_wait3A_49 = tpu.memref_squeeze %dma_wait3A_48 : memref<1x128xi32, #tpu.memory_space<vmem>> -> memref<128xi32, #tpu.memory_space<vmem>>
    %dma_wait3A_50 = arith.constant 0 : i32
    %dma_wait3A_51 = arith.constant 0 : i32
    %dma_wait3A_52 = tpu.memref_slice %arg4[%dma_wait3A_50, %dma_wait3A_51] : memref<100000x128xf32, #tpu.memory_space<hbm>> -> memref<100000x128xf32, #tpu.memory_space<hbm>>
    tpu.wait_indirect_dma semaphore(%arg10 : memref<!tpu.dma_semaphore, #tpu.memory_space<semaphore_mem>>) src(%dma_wait3A_52 : memref<100000x128xf32, #tpu.memory_space<hbm>>) dst(%dma_wait3A_46 : memref<128x128xf32, #tpu.memory_space<vmem>>)
    %dma_wait3A_53 = arith.constant 1 : i32
    %dma_wait3A_54 = arith.constant 128 : i32
    %dma_wait3A_55 = arith.constant 0 : i32
    %dma_wait3A_56 = tpu.memref_slice %arg9[%dma_wait3A_54, %dma_wait3A_55] : memref<512x128xf32, #tpu.memory_space<vmem>> -> memref<128x128xf32, #tpu.memory_space<vmem>>
    %dma_wait3A_57 = arith.constant 0 : i32
    %dma_wait3A_58 = tpu.memref_slice %arg8[%dma_wait3A_53, %dma_wait3A_57] : memref<4x128xi32, #tpu.memory_space<vmem>> -> memref<1x128xi32, #tpu.memory_space<vmem>>
    %dma_wait3A_59 = tpu.memref_squeeze %dma_wait3A_58 : memref<1x128xi32, #tpu.memory_space<vmem>> -> memref<128xi32, #tpu.memory_space<vmem>>
    %dma_wait3A_60 = arith.constant 0 : i32
    %dma_wait3A_61 = arith.constant 0 : i32
    %dma_wait3A_62 = tpu.memref_slice %arg4[%dma_wait3A_60, %dma_wait3A_61] : memref<100000x128xf32, #tpu.memory_space<hbm>> -> memref<100000x128xf32, #tpu.memory_space<hbm>>
    tpu.wait_indirect_dma semaphore(%arg10 : memref<!tpu.dma_semaphore, #tpu.memory_space<semaphore_mem>>) src(%dma_wait3A_62 : memref<100000x128xf32, #tpu.memory_space<hbm>>) dst(%dma_wait3A_56 : memref<128x128xf32, #tpu.memory_space<vmem>>)
    %dma_wait3A_63 = arith.constant 2 : i32
    %dma_wait3A_64 = arith.constant 256 : i32
    %dma_wait3A_65 = arith.constant 0 : i32
    %dma_wait3A_66 = tpu.memref_slice %arg9[%dma_wait3A_64, %dma_wait3A_65] : memref<512x128xf32, #tpu.memory_space<vmem>> -> memref<128x128xf32, #tpu.memory_space<vmem>>
    %dma_wait3A_67 = arith.constant 0 : i32
    %dma_wait3A_68 = tpu.memref_slice %arg8[%dma_wait3A_63, %dma_wait3A_67] : memref<4x128xi32, #tpu.memory_space<vmem>> -> memref<1x128xi32, #tpu.memory_space<vmem>>
    %dma_wait3A_69 = tpu.memref_squeeze %dma_wait3A_68 : memref<1x128xi32, #tpu.memory_space<vmem>> -> memref<128xi32, #tpu.memory_space<vmem>>
    %dma_wait3A_70 = arith.constant 0 : i32
    %dma_wait3A_71 = arith.constant 0 : i32
    %dma_wait3A_72 = tpu.memref_slice %arg4[%dma_wait3A_70, %dma_wait3A_71] : memref<100000x128xf32, #tpu.memory_space<hbm>> -> memref<100000x128xf32, #tpu.memory_space<hbm>>
    tpu.wait_indirect_dma semaphore(%arg10 : memref<!tpu.dma_semaphore, #tpu.memory_space<semaphore_mem>>) src(%dma_wait3A_72 : memref<100000x128xf32, #tpu.memory_space<hbm>>) dst(%dma_wait3A_66 : memref<128x128xf32, #tpu.memory_space<vmem>>)
    %dma_wait3A_73 = arith.constant 3 : i32
    %dma_wait3A_74 = arith.constant 384 : i32
    %dma_wait3A_75 = arith.constant 0 : i32
    %dma_wait3A_76 = tpu.memref_slice %arg9[%dma_wait3A_74, %dma_wait3A_75] : memref<512x128xf32, #tpu.memory_space<vmem>> -> memref<128x128xf32, #tpu.memory_space<vmem>>
    %dma_wait3A_77 = arith.constant 0 : i32
    %dma_wait3A_78 = tpu.memref_slice %arg8[%dma_wait3A_73, %dma_wait3A_77] : memref<4x128xi32, #tpu.memory_space<vmem>> -> memref<1x128xi32, #tpu.memory_space<vmem>>
    %dma_wait3A_79 = tpu.memref_squeeze %dma_wait3A_78 : memref<1x128xi32, #tpu.memory_space<vmem>> -> memref<128xi32, #tpu.memory_space<vmem>>
    %dma_wait3A_80 = arith.constant 0 : i32
    %dma_wait3A_81 = arith.constant 0 : i32
    %dma_wait3A_82 = tpu.memref_slice %arg4[%dma_wait3A_80, %dma_wait3A_81] : memref<100000x128xf32, #tpu.memory_space<hbm>> -> memref<100000x128xf32, #tpu.memory_space<hbm>>
    tpu.wait_indirect_dma semaphore(%arg10 : memref<!tpu.dma_semaphore, #tpu.memory_space<semaphore_mem>>) src(%dma_wait3A_82 : memref<100000x128xf32, #tpu.memory_space<hbm>>) dst(%dma_wait3A_76 : memref<128x128xf32, #tpu.memory_space<vmem>>)
    "tpu.region"() ({
      %run_scoped3A = tpu.sem_alloc : memref<!tpu.dma_semaphore, #tpu.memory_space<semaphore_mem>>
      %dma_start3A_165 = arith.constant 0 : i32
      %dma_start3A_166 = tpu.memref_slice %arg6[%mul3A_2, %dma_start3A_165] : memref<16384x128xf32, #tpu.memory_space<hbm>> -> memref<512x128xf32, #tpu.memory_space<hbm>>
      %dma_start3A_167 = arith.constant 0 : i32
      %dma_start3A_168 = tpu.memref_slice %arg6[%mul3A_2, %dma_start3A_167] : memref<16384x128xf32, #tpu.memory_space<hbm>> -> memref<512x128xf32, #tpu.memory_space<hbm>>
      tpu.enqueue_dma source(%arg9 : memref<512x128xf32, #tpu.memory_space<vmem>>) target(%dma_start3A_168 : memref<512x128xf32, #tpu.memory_space<hbm>>) target_semaphore(%run_scoped3A : memref<!tpu.dma_semaphore, #tpu.memory_space<semaphore_mem>>)
      %dma_wait3A_169 = arith.constant 0 : i32
      %dma_wait3A_170 = tpu.memref_slice %arg6[%mul3A_2, %dma_wait3A_169] : memref<16384x128xf32, #tpu.memory_space<hbm>> -> memref<512x128xf32, #tpu.memory_space<hbm>>
      %dma_wait3A_171 = arith.constant 0 : i32
      %dma_wait3A_172 = tpu.memref_slice %arg6[%mul3A_2, %dma_wait3A_171] : memref<16384x128xf32, #tpu.memory_space<hbm>> -> memref<512x128xf32, #tpu.memory_space<hbm>>
      tpu.wait_dma2 semaphore(%run_scoped3A : memref<!tpu.dma_semaphore, #tpu.memory_space<semaphore_mem>>) src(%arg9 : memref<512x128xf32, #tpu.memory_space<vmem>>) dst(%dma_wait3A_172 : memref<512x128xf32, #tpu.memory_space<hbm>>)
      tpu.yield
    }) : () -> ()
    %mul3A_83 = arith.constant 4 : i32
    %mul3A_84 = arith.muli %add3A, %mul3A_83 : i32
    "tpu.region"() ({
      %run_scoped3A = tpu.sem_alloc : memref<!tpu.dma_semaphore, #tpu.memory_space<semaphore_mem>>
      %dma_start3A_165 = arith.constant 0 : i32
      %dma_start3A_166 = tpu.memref_slice %arg3[%mul3A_84, %dma_start3A_165] : memref<128x128xi32, #tpu.memory_space<hbm>> -> memref<4x128xi32, #tpu.memory_space<hbm>>
      %dma_start3A_167 = arith.constant 0 : i32
      %dma_start3A_168 = tpu.memref_slice %arg3[%mul3A_84, %dma_start3A_167] : memref<128x128xi32, #tpu.memory_space<hbm>> -> memref<4x128xi32, #tpu.memory_space<hbm>>
      tpu.enqueue_dma source(%dma_start3A_168 : memref<4x128xi32, #tpu.memory_space<hbm>>) target(%arg8 : memref<4x128xi32, #tpu.memory_space<vmem>>) target_semaphore(%run_scoped3A : memref<!tpu.dma_semaphore, #tpu.memory_space<semaphore_mem>>)
      %dma_wait3A_169 = arith.constant 0 : i32
      %dma_wait3A_170 = tpu.memref_slice %arg3[%mul3A_84, %dma_wait3A_169] : memref<128x128xi32, #tpu.memory_space<hbm>> -> memref<4x128xi32, #tpu.memory_space<hbm>>
      %dma_wait3A_171 = arith.constant 0 : i32
      %dma_wait3A_172 = tpu.memref_slice %arg3[%mul3A_84, %dma_wait3A_171] : memref<128x128xi32, #tpu.memory_space<hbm>> -> memref<4x128xi32, #tpu.memory_space<hbm>>
      tpu.wait_dma2 semaphore(%run_scoped3A : memref<!tpu.dma_semaphore, #tpu.memory_space<semaphore_mem>>) src(%dma_wait3A_172 : memref<4x128xi32, #tpu.memory_space<hbm>>) dst(%arg8 : memref<4x128xi32, #tpu.memory_space<vmem>>)
      tpu.yield
    }) : () -> ()
    %dma_start3A_85 = arith.constant 0 : i32
    %dma_start3A_86 = arith.constant 0 : i32
    %dma_start3A_87 = arith.constant 0 : i32
    %dma_start3A_88 = tpu.memref_slice %arg9[%dma_start3A_86, %dma_start3A_87] : memref<512x128xf32, #tpu.memory_space<vmem>> -> memref<128x128xf32, #tpu.memory_space<vmem>>
    %dma_start3A_89 = arith.constant 0 : i32
    %dma_start3A_90 = tpu.memref_slice %arg8[%dma_start3A_85, %dma_start3A_89] : memref<4x128xi32, #tpu.memory_space<vmem>> -> memref<1x128xi32, #tpu.memory_space<vmem>>
    %dma_start3A_91 = tpu.memref_squeeze %dma_start3A_90 : memref<1x128xi32, #tpu.memory_space<vmem>> -> memref<128xi32, #tpu.memory_space<vmem>>
    %dma_start3A_92 = arith.constant 0 : i32
    %dma_start3A_93 = arith.constant 0 : i32
    %dma_start3A_94 = tpu.memref_slice %arg5[%dma_start3A_92, %dma_start3A_93] : memref<100000x128xf32, #tpu.memory_space<hbm>> -> memref<100000x128xf32, #tpu.memory_space<hbm>>
    tpu.enqueue_indirect_dma source(%dma_start3A_94 : memref<100000x128xf32, #tpu.memory_space<hbm>>) target(%dma_start3A_88 : memref<128x128xf32, #tpu.memory_space<vmem>>) offsets(%dma_start3A_91 : memref<128xi32, #tpu.memory_space<vmem>>) semaphore(%arg10 : memref<!tpu.dma_semaphore, #tpu.memory_space<semaphore_mem>>)
    %dma_start3A_95 = arith.constant 1 : i32
    %dma_start3A_96 = arith.constant 128 : i32
    %dma_start3A_97 = arith.constant 0 : i32
    %dma_start3A_98 = tpu.memref_slice %arg9[%dma_start3A_96, %dma_start3A_97] : memref<512x128xf32, #tpu.memory_space<vmem>> -> memref<128x128xf32, #tpu.memory_space<vmem>>
    %dma_start3A_99 = arith.constant 0 : i32
    %dma_start3A_100 = tpu.memref_slice %arg8[%dma_start3A_95, %dma_start3A_99] : memref<4x128xi32, #tpu.memory_space<vmem>> -> memref<1x128xi32, #tpu.memory_space<vmem>>
    %dma_start3A_101 = tpu.memref_squeeze %dma_start3A_100 : memref<1x128xi32, #tpu.memory_space<vmem>> -> memref<128xi32, #tpu.memory_space<vmem>>
    %dma_start3A_102 = arith.constant 0 : i32
    %dma_start3A_103 = arith.constant 0 : i32
    %dma_start3A_104 = tpu.memref_slice %arg5[%dma_start3A_102, %dma_start3A_103] : memref<100000x128xf32, #tpu.memory_space<hbm>> -> memref<100000x128xf32, #tpu.memory_space<hbm>>
    tpu.enqueue_indirect_dma source(%dma_start3A_104 : memref<100000x128xf32, #tpu.memory_space<hbm>>) target(%dma_start3A_98 : memref<128x128xf32, #tpu.memory_space<vmem>>) offsets(%dma_start3A_101 : memref<128xi32, #tpu.memory_space<vmem>>) semaphore(%arg10 : memref<!tpu.dma_semaphore, #tpu.memory_space<semaphore_mem>>)
    %dma_start3A_105 = arith.constant 2 : i32
    %dma_start3A_106 = arith.constant 256 : i32
    %dma_start3A_107 = arith.constant 0 : i32
    %dma_start3A_108 = tpu.memref_slice %arg9[%dma_start3A_106, %dma_start3A_107] : memref<512x128xf32, #tpu.memory_space<vmem>> -> memref<128x128xf32, #tpu.memory_space<vmem>>
    %dma_start3A_109 = arith.constant 0 : i32
    %dma_start3A_110 = tpu.memref_slice %arg8[%dma_start3A_105, %dma_start3A_109] : memref<4x128xi32, #tpu.memory_space<vmem>> -> memref<1x128xi32, #tpu.memory_space<vmem>>
    %dma_start3A_111 = tpu.memref_squeeze %dma_start3A_110 : memref<1x128xi32, #tpu.memory_space<vmem>> -> memref<128xi32, #tpu.memory_space<vmem>>
    %dma_start3A_112 = arith.constant 0 : i32
    %dma_start3A_113 = arith.constant 0 : i32
    %dma_start3A_114 = tpu.memref_slice %arg5[%dma_start3A_112, %dma_start3A_113] : memref<100000x128xf32, #tpu.memory_space<hbm>> -> memref<100000x128xf32, #tpu.memory_space<hbm>>
    tpu.enqueue_indirect_dma source(%dma_start3A_114 : memref<100000x128xf32, #tpu.memory_space<hbm>>) target(%dma_start3A_108 : memref<128x128xf32, #tpu.memory_space<vmem>>) offsets(%dma_start3A_111 : memref<128xi32, #tpu.memory_space<vmem>>) semaphore(%arg10 : memref<!tpu.dma_semaphore, #tpu.memory_space<semaphore_mem>>)
    %dma_start3A_115 = arith.constant 3 : i32
    %dma_start3A_116 = arith.constant 384 : i32
    %dma_start3A_117 = arith.constant 0 : i32
    %dma_start3A_118 = tpu.memref_slice %arg9[%dma_start3A_116, %dma_start3A_117] : memref<512x128xf32, #tpu.memory_space<vmem>> -> memref<128x128xf32, #tpu.memory_space<vmem>>
    %dma_start3A_119 = arith.constant 0 : i32
    %dma_start3A_120 = tpu.memref_slice %arg8[%dma_start3A_115, %dma_start3A_119] : memref<4x128xi32, #tpu.memory_space<vmem>> -> memref<1x128xi32, #tpu.memory_space<vmem>>
    %dma_start3A_121 = tpu.memref_squeeze %dma_start3A_120 : memref<1x128xi32, #tpu.memory_space<vmem>> -> memref<128xi32, #tpu.memory_space<vmem>>
    %dma_start3A_122 = arith.constant 0 : i32
    %dma_start3A_123 = arith.constant 0 : i32
    %dma_start3A_124 = tpu.memref_slice %arg5[%dma_start3A_122, %dma_start3A_123] : memref<100000x128xf32, #tpu.memory_space<hbm>> -> memref<100000x128xf32, #tpu.memory_space<hbm>>
    tpu.enqueue_indirect_dma source(%dma_start3A_124 : memref<100000x128xf32, #tpu.memory_space<hbm>>) target(%dma_start3A_118 : memref<128x128xf32, #tpu.memory_space<vmem>>) offsets(%dma_start3A_121 : memref<128xi32, #tpu.memory_space<vmem>>) semaphore(%arg10 : memref<!tpu.dma_semaphore, #tpu.memory_space<semaphore_mem>>)
    %dma_wait3A_125 = arith.constant 0 : i32
    %dma_wait3A_126 = arith.constant 0 : i32
    %dma_wait3A_127 = arith.constant 0 : i32
    %dma_wait3A_128 = tpu.memref_slice %arg9[%dma_wait3A_126, %dma_wait3A_127] : memref<512x128xf32, #tpu.memory_space<vmem>> -> memref<128x128xf32, #tpu.memory_space<vmem>>
    %dma_wait3A_129 = arith.constant 0 : i32
    %dma_wait3A_130 = tpu.memref_slice %arg8[%dma_wait3A_125, %dma_wait3A_129] : memref<4x128xi32, #tpu.memory_space<vmem>> -> memref<1x128xi32, #tpu.memory_space<vmem>>
    %dma_wait3A_131 = tpu.memref_squeeze %dma_wait3A_130 : memref<1x128xi32, #tpu.memory_space<vmem>> -> memref<128xi32, #tpu.memory_space<vmem>>
    %dma_wait3A_132 = arith.constant 0 : i32
    %dma_wait3A_133 = arith.constant 0 : i32
    %dma_wait3A_134 = tpu.memref_slice %arg5[%dma_wait3A_132, %dma_wait3A_133] : memref<100000x128xf32, #tpu.memory_space<hbm>> -> memref<100000x128xf32, #tpu.memory_space<hbm>>
    tpu.wait_indirect_dma semaphore(%arg10 : memref<!tpu.dma_semaphore, #tpu.memory_space<semaphore_mem>>) src(%dma_wait3A_134 : memref<100000x128xf32, #tpu.memory_space<hbm>>) dst(%dma_wait3A_128 : memref<128x128xf32, #tpu.memory_space<vmem>>)
    %dma_wait3A_135 = arith.constant 1 : i32
    %dma_wait3A_136 = arith.constant 128 : i32
    %dma_wait3A_137 = arith.constant 0 : i32
    %dma_wait3A_138 = tpu.memref_slice %arg9[%dma_wait3A_136, %dma_wait3A_137] : memref<512x128xf32, #tpu.memory_space<vmem>> -> memref<128x128xf32, #tpu.memory_space<vmem>>
    %dma_wait3A_139 = arith.constant 0 : i32
    %dma_wait3A_140 = tpu.memref_slice %arg8[%dma_wait3A_135, %dma_wait3A_139] : memref<4x128xi32, #tpu.memory_space<vmem>> -> memref<1x128xi32, #tpu.memory_space<vmem>>
    %dma_wait3A_141 = tpu.memref_squeeze %dma_wait3A_140 : memref<1x128xi32, #tpu.memory_space<vmem>> -> memref<128xi32, #tpu.memory_space<vmem>>
    %dma_wait3A_142 = arith.constant 0 : i32
    %dma_wait3A_143 = arith.constant 0 : i32
    %dma_wait3A_144 = tpu.memref_slice %arg5[%dma_wait3A_142, %dma_wait3A_143] : memref<100000x128xf32, #tpu.memory_space<hbm>> -> memref<100000x128xf32, #tpu.memory_space<hbm>>
    tpu.wait_indirect_dma semaphore(%arg10 : memref<!tpu.dma_semaphore, #tpu.memory_space<semaphore_mem>>) src(%dma_wait3A_144 : memref<100000x128xf32, #tpu.memory_space<hbm>>) dst(%dma_wait3A_138 : memref<128x128xf32, #tpu.memory_space<vmem>>)
    %dma_wait3A_145 = arith.constant 2 : i32
    %dma_wait3A_146 = arith.constant 256 : i32
    %dma_wait3A_147 = arith.constant 0 : i32
    %dma_wait3A_148 = tpu.memref_slice %arg9[%dma_wait3A_146, %dma_wait3A_147] : memref<512x128xf32, #tpu.memory_space<vmem>> -> memref<128x128xf32, #tpu.memory_space<vmem>>
    %dma_wait3A_149 = arith.constant 0 : i32
    %dma_wait3A_150 = tpu.memref_slice %arg8[%dma_wait3A_145, %dma_wait3A_149] : memref<4x128xi32, #tpu.memory_space<vmem>> -> memref<1x128xi32, #tpu.memory_space<vmem>>
    %dma_wait3A_151 = tpu.memref_squeeze %dma_wait3A_150 : memref<1x128xi32, #tpu.memory_space<vmem>> -> memref<128xi32, #tpu.memory_space<vmem>>
    %dma_wait3A_152 = arith.constant 0 : i32
    %dma_wait3A_153 = arith.constant 0 : i32
    %dma_wait3A_154 = tpu.memref_slice %arg5[%dma_wait3A_152, %dma_wait3A_153] : memref<100000x128xf32, #tpu.memory_space<hbm>> -> memref<100000x128xf32, #tpu.memory_space<hbm>>
    tpu.wait_indirect_dma semaphore(%arg10 : memref<!tpu.dma_semaphore, #tpu.memory_space<semaphore_mem>>) src(%dma_wait3A_154 : memref<100000x128xf32, #tpu.memory_space<hbm>>) dst(%dma_wait3A_148 : memref<128x128xf32, #tpu.memory_space<vmem>>)
    %dma_wait3A_155 = arith.constant 3 : i32
    %dma_wait3A_156 = arith.constant 384 : i32
    %dma_wait3A_157 = arith.constant 0 : i32
    %dma_wait3A_158 = tpu.memref_slice %arg9[%dma_wait3A_156, %dma_wait3A_157] : memref<512x128xf32, #tpu.memory_space<vmem>> -> memref<128x128xf32, #tpu.memory_space<vmem>>
    %dma_wait3A_159 = arith.constant 0 : i32
    %dma_wait3A_160 = tpu.memref_slice %arg8[%dma_wait3A_155, %dma_wait3A_159] : memref<4x128xi32, #tpu.memory_space<vmem>> -> memref<1x128xi32, #tpu.memory_space<vmem>>
    %dma_wait3A_161 = tpu.memref_squeeze %dma_wait3A_160 : memref<1x128xi32, #tpu.memory_space<vmem>> -> memref<128xi32, #tpu.memory_space<vmem>>
    %dma_wait3A_162 = arith.constant 0 : i32
    %dma_wait3A_163 = arith.constant 0 : i32
    %dma_wait3A_164 = tpu.memref_slice %arg5[%dma_wait3A_162, %dma_wait3A_163] : memref<100000x128xf32, #tpu.memory_space<hbm>> -> memref<100000x128xf32, #tpu.memory_space<hbm>>
    tpu.wait_indirect_dma semaphore(%arg10 : memref<!tpu.dma_semaphore, #tpu.memory_space<semaphore_mem>>) src(%dma_wait3A_164 : memref<100000x128xf32, #tpu.memory_space<hbm>>) dst(%dma_wait3A_158 : memref<128x128xf32, #tpu.memory_space<vmem>>)
    "tpu.region"() ({
      %run_scoped3A = tpu.sem_alloc : memref<!tpu.dma_semaphore, #tpu.memory_space<semaphore_mem>>
      %dma_start3A_165 = arith.constant 0 : i32
      %dma_start3A_166 = tpu.memref_slice %arg7[%mul3A_2, %dma_start3A_165] : memref<16384x128xf32, #tpu.memory_space<hbm>> -> memref<512x128xf32, #tpu.memory_space<hbm>>
      %dma_start3A_167 = arith.constant 0 : i32
      %dma_start3A_168 = tpu.memref_slice %arg7[%mul3A_2, %dma_start3A_167] : memref<16384x128xf32, #tpu.memory_space<hbm>> -> memref<512x128xf32, #tpu.memory_space<hbm>>
      tpu.enqueue_dma source(%arg9 : memref<512x128xf32, #tpu.memory_space<vmem>>) target(%dma_start3A_168 : memref<512x128xf32, #tpu.memory_space<hbm>>) target_semaphore(%run_scoped3A : memref<!tpu.dma_semaphore, #tpu.memory_space<semaphore_mem>>)
      %dma_wait3A_169 = arith.constant 0 : i32
      %dma_wait3A_170 = tpu.memref_slice %arg7[%mul3A_2, %dma_wait3A_169] : memref<16384x128xf32, #tpu.memory_space<hbm>> -> memref<512x128xf32, #tpu.memory_space<hbm>>
      %dma_wait3A_171 = arith.constant 0 : i32
      %dma_wait3A_172 = tpu.memref_slice %arg7[%mul3A_2, %dma_wait3A_171] : memref<16384x128xf32, #tpu.memory_space<hbm>> -> memref<512x128xf32, #tpu.memory_space<hbm>>
      tpu.wait_dma2 semaphore(%run_scoped3A : memref<!tpu.dma_semaphore, #tpu.memory_space<semaphore_mem>>) src(%arg9 : memref<512x128xf32, #tpu.memory_space<vmem>>) dst(%dma_wait3A_172 : memref<512x128xf32, #tpu.memory_space<hbm>>)
      tpu.yield
    }) : () -> ()
    return
  }
}

module attributes {stable_mosaic.version = 14 : i64} {
  func.func @_mlp_body(%arg0: i32, %arg1: memref<4096x128xf32, #tpu.memory_space<vmem>>, %arg2: memref<4096x128xf32, #tpu.memory_space<vmem>>, %arg3: memref<128x128xf32, #tpu.memory_space<vmem>>, %arg4: memref<128x128xf32, #tpu.memory_space<vmem>>, %arg5: memref<1x128xf32, #tpu.memory_space<vmem>>, %arg6: memref<128x64xf32, #tpu.memory_space<vmem>>, %arg7: memref<1x64xf32, #tpu.memory_space<vmem>>, %arg8: memref<64x1xf32, #tpu.memory_space<vmem>>, %arg9: memref<1x1xf32, #tpu.memory_space<vmem>>, %arg10: memref<4096x1xf32, #tpu.memory_space<vmem>>) attributes {dimension_semantics = [#tpu.dimension_semantics<arbitrary>], iteration_bounds = array<i64: 4>, scalar_prefetch = 0 : i64, scratch_operands = 0 : i64, tpu.core_type = #tpu.core_type<tc>, window_params = [{transform_indices = @transform_0, window_bounds = array<i64: 4096, 128>}, {transform_indices = @transform_1, window_bounds = array<i64: 4096, 128>}, {pipeline_mode = #tpu.pipeline_mode<synchronous>, transform_indices = @transform_2, window_bounds = array<i64: 128, 128>}, {pipeline_mode = #tpu.pipeline_mode<synchronous>, transform_indices = @transform_3, window_bounds = array<i64: 128, 128>}, {pipeline_mode = #tpu.pipeline_mode<synchronous>, transform_indices = @transform_4, window_bounds = array<i64: 1, 128>}, {pipeline_mode = #tpu.pipeline_mode<synchronous>, transform_indices = @transform_5, window_bounds = array<i64: 128, 64>}, {pipeline_mode = #tpu.pipeline_mode<synchronous>, transform_indices = @transform_6, window_bounds = array<i64: 1, 64>}, {pipeline_mode = #tpu.pipeline_mode<synchronous>, transform_indices = @transform_7, window_bounds = array<i64: 64, 1>}, {pipeline_mode = #tpu.pipeline_mode<synchronous>, transform_indices = @transform_8, window_bounds = array<i64: 1, 1>}, {transform_indices = @transform_9, window_bounds = array<i64: 4096, 1>}]} {
    %get3A = arith.constant 0 : index
    %get3A_0 = arith.constant 0 : index
    %get3A_1 = vector.load %arg1[%get3A, %get3A_0] : memref<4096x128xf32, #tpu.memory_space<vmem>>, vector<4096x128xf32>
    %get3A_2 = arith.constant 0 : index
    %get3A_3 = arith.constant 0 : index
    %get3A_4 = vector.load %arg3[%get3A_2, %get3A_3] : memref<128x128xf32, #tpu.memory_space<vmem>>, vector<128x128xf32>
    %dot_general3A = arith.constant dense<0.000000e+00> : vector<4096x128xf32>
    %dot_general3A_5 = tpu.matmul %get3A_1, %get3A_4, %dot_general3A {dimension_numbers = #tpu.dot_dimension_numbers<[1], [0], [0], [1], [0, 0, 1, 1], [], []>, transpose_lhs_hint = false} : vector<4096x128xf32>, vector<128x128xf32>, vector<4096x128xf32> -> vector<4096x128xf32>
    %get3A_6 = arith.constant 0 : index
    %get3A_7 = arith.constant 0 : index
    %get3A_8 = vector.load %arg2[%get3A_6, %get3A_7] : memref<4096x128xf32, #tpu.memory_space<vmem>>, vector<4096x128xf32>
    %get3A_9 = arith.constant 0 : index
    %get3A_10 = arith.constant 0 : index
    %get3A_11 = vector.load %arg4[%get3A_9, %get3A_10] : memref<128x128xf32, #tpu.memory_space<vmem>>, vector<128x128xf32>
    %dot_general3A_12 = arith.constant dense<0.000000e+00> : vector<4096x128xf32>
    %dot_general3A_13 = tpu.matmul %get3A_8, %get3A_11, %dot_general3A_12 {dimension_numbers = #tpu.dot_dimension_numbers<[1], [0], [0], [1], [0, 0, 1, 1], [], []>, transpose_lhs_hint = false} : vector<4096x128xf32>, vector<128x128xf32>, vector<4096x128xf32> -> vector<4096x128xf32>
    %add3A = arith.addf %dot_general3A_5, %dot_general3A_13 : vector<4096x128xf32>
    %get3A_14 = arith.constant 0 : index
    %get3A_15 = arith.constant 0 : index
    %get3A_16 = vector.load %arg5[%get3A_14, %get3A_15] : memref<1x128xf32, #tpu.memory_space<vmem>>, vector<1x128xf32>
    %add3A_17 = vector.broadcast %get3A_16 : vector<1x128xf32> to vector<4096x128xf32>
    %add3A_18 = arith.addf %add3A, %add3A_17 : vector<4096x128xf32>
    %max3A = arith.constant 0.000000e+00 : f32
    %max3A_19 = vector.broadcast %max3A : f32 to vector<4096x128xf32>
    %max3A_20 = arith.maximumf %add3A_18, %max3A_19 : vector<4096x128xf32>
    %get3A_21 = arith.constant 0 : index
    %get3A_22 = arith.constant 0 : index
    %get3A_23 = vector.load %arg6[%get3A_21, %get3A_22] : memref<128x64xf32, #tpu.memory_space<vmem>>, vector<128x64xf32>
    %dot_general3A_24 = arith.constant dense<0.000000e+00> : vector<4096x64xf32>
    %dot_general3A_25 = tpu.matmul %max3A_20, %get3A_23, %dot_general3A_24 {dimension_numbers = #tpu.dot_dimension_numbers<[1], [0], [0], [1], [0, 0, 1, 1], [], []>, transpose_lhs_hint = false} : vector<4096x128xf32>, vector<128x64xf32>, vector<4096x64xf32> -> vector<4096x64xf32>
    %get3A_26 = arith.constant 0 : index
    %get3A_27 = arith.constant 0 : index
    %get3A_28 = vector.load %arg7[%get3A_26, %get3A_27] : memref<1x64xf32, #tpu.memory_space<vmem>>, vector<1x64xf32>
    %add3A_29 = vector.broadcast %get3A_28 : vector<1x64xf32> to vector<4096x64xf32>
    %add3A_30 = arith.addf %dot_general3A_25, %add3A_29 : vector<4096x64xf32>
    %max3A_31 = arith.constant 0.000000e+00 : f32
    %max3A_32 = vector.broadcast %max3A_31 : f32 to vector<4096x64xf32>
    %max3A_33 = arith.maximumf %add3A_30, %max3A_32 : vector<4096x64xf32>
    %get3A_34 = arith.constant 0 : index
    %get3A_35 = arith.constant 0 : index
    %get3A_36 = vector.load %arg8[%get3A_34, %get3A_35] : memref<64x1xf32, #tpu.memory_space<vmem>>, vector<64x1xf32>
    %dot_general3A_37 = arith.constant dense<0.000000e+00> : vector<4096x1xf32>
    %dot_general3A_38 = tpu.matmul %max3A_33, %get3A_36, %dot_general3A_37 {dimension_numbers = #tpu.dot_dimension_numbers<[1], [0], [0], [1], [0, 0, 1, 1], [], []>, transpose_lhs_hint = false} : vector<4096x64xf32>, vector<64x1xf32>, vector<4096x1xf32> -> vector<4096x1xf32>
    %get3A_39 = arith.constant 0 : index
    %get3A_40 = arith.constant 0 : index
    %get3A_41 = vector.load %arg9[%get3A_39, %get3A_40] : memref<1x1xf32, #tpu.memory_space<vmem>>, vector<1x1xf32>
    %add3A_42 = vector.broadcast %get3A_41 : vector<1x1xf32> to vector<4096x1xf32>
    %add3A_43 = arith.addf %dot_general3A_38, %add3A_42 : vector<4096x1xf32>
    %swap3A = arith.constant 0 : index
    %swap3A_44 = arith.constant 0 : index
    %swap3A_45 = vector.load %arg10[%swap3A, %swap3A_44] : memref<4096x1xf32, #tpu.memory_space<vmem>>, vector<4096x1xf32>
    tpu.vector_store %arg10[%swap3A, %swap3A_44], %add3A_43 {strides = array<i32>} : memref<4096x1xf32, #tpu.memory_space<vmem>>, vector<4096x1xf32>,
    return
  }
  func.func @transform_0(%arg0: i32) -> (i32, i32) {
    %c0_i32 = arith.constant 0 : i32
    %c0_i32_0 = arith.constant 0 : i32
    return %arg0, %c0_i32 : i32, i32
  }
  func.func @transform_1(%arg0: i32) -> (i32, i32) {
    %c0_i32 = arith.constant 0 : i32
    %c0_i32_0 = arith.constant 0 : i32
    return %arg0, %c0_i32 : i32, i32
  }
  func.func @transform_2(%arg0: i32) -> (i32, i32) {
    %c0_i32 = arith.constant 0 : i32
    %c0_i32_0 = arith.constant 0 : i32
    %c0_i32_1 = arith.constant 0 : i32
    return %c0_i32, %c0_i32_0 : i32, i32
  }
  func.func @transform_3(%arg0: i32) -> (i32, i32) {
    %c0_i32 = arith.constant 0 : i32
    %c0_i32_0 = arith.constant 0 : i32
    %c0_i32_1 = arith.constant 0 : i32
    return %c0_i32, %c0_i32_0 : i32, i32
  }
  func.func @transform_4(%arg0: i32) -> (i32, i32) {
    %c0_i32 = arith.constant 0 : i32
    %c0_i32_0 = arith.constant 0 : i32
    %c0_i32_1 = arith.constant 0 : i32
    return %c0_i32, %c0_i32_0 : i32, i32
  }
  func.func @transform_5(%arg0: i32) -> (i32, i32) {
    %c0_i32 = arith.constant 0 : i32
    %c0_i32_0 = arith.constant 0 : i32
    %c0_i32_1 = arith.constant 0 : i32
    return %c0_i32, %c0_i32_0 : i32, i32
  }
  func.func @transform_6(%arg0: i32) -> (i32, i32) {
    %c0_i32 = arith.constant 0 : i32
    %c0_i32_0 = arith.constant 0 : i32
    %c0_i32_1 = arith.constant 0 : i32
    return %c0_i32, %c0_i32_0 : i32, i32
  }
  func.func @transform_7(%arg0: i32) -> (i32, i32) {
    %c0_i32 = arith.constant 0 : i32
    %c0_i32_0 = arith.constant 0 : i32
    %c0_i32_1 = arith.constant 0 : i32
    return %c0_i32, %c0_i32_0 : i32, i32
  }
  func.func @transform_8(%arg0: i32) -> (i32, i32) {
    %c0_i32 = arith.constant 0 : i32
    %c0_i32_0 = arith.constant 0 : i32
    %c0_i32_1 = arith.constant 0 : i32
    return %c0_i32, %c0_i32_0 : i32, i32
  }
  func.func @transform_9(%arg0: i32) -> (i32, i32) {
    %c0_i32 = arith.constant 0 : i32
    %c0_i32_0 = arith.constant 0 : i32
    return %arg0, %c0_i32 : i32, i32
  }
}

</mosaic_0001>

<sc_bundles>
// kernel: kernel.4.cloned.1.call-start
scs
__scs_entry_jumppad:
0x0: {  	(pc) =	sbr.rel $0x88, $3  }
0x1: {  	(tag) =	ssettag $0x0;
	lr =	simm.s32 $0x1  }
0x2: {  	[smem:$0x3F97] =	sst lr;
	_ =	strace $0xD0000000  }
0x3: {  	_ = 	snop  }
0x4: {  	_ = 	snop  }
0x5: {  	_ = 	snop  }
0x6: {  	_ = 	snop  }
0x7: {  	_ = 	snop  }
__scs_overlays_trampoline_lowered:
0x8: {  	[smem:$0x3FA6] =	sst s0  }
0x9: {  	[smem:$0x3FA7] =	sst s1  }
0xa: {  	[smem:$0x3FA8] =	sst s2  }
0xb: {  	[smem:$0x3FA9] =	sst s3  }
0xc: {  	[smem:$0x3FAA] =	sst s4  }
0xd: {  	[smem:$0x3FAB] =	sst s5  }
0xe: {  	[smem:$0x3FAC] =	sst s6  }
0xf: {  	[smem:$0x3FAD] =	sst s7  }
0x10: {  	[smem:$0x3FAE] =	sst s8  }
0x11: {  	[smem:$0x3FAF] =	sst s9;
	s0 =	simm.s32 @!p0 $0x0  }
0x12: {  	s1 =	sld [smem:$0x3F95];
	s0 =	simm.s32 @p0 $0x1  }
0x13: {  	[smem:$0x3FB0] =	sst s0;
	s0 =	simm.s32 @!p1 $0x0  }
0x14: {  	s2 =	sld [smem:$0x3F94];
	s0 =	simm.s32 @p1 $0x1  }
0x15: {  	[smem:$0x3FB1] =	sst s0;
	s0 =	simm.s32 @!p2 $0x0  }
0x16: {  	s3 =	sld [smem:$0x3FDB];
	s0 =	simm.s32 @p2 $0x1  }
0x17: {  	s4 =	simm.s32 $0x1BF5;
	[smem:$0x3FB3] =	sst s0  }
0x18: {  	s0 =	sld [smem:$0x3F96];
	_ =	swait.ge [sflag:s4], $0x0  }
0x19: {  	s7 =	sld [smem:$0x3F97]  }
0x1a: {  	s8 =	sadd.s32 $0xFFFFE003, lr  }
0x1b: {  	s9 =	sadd.s32 $0xFFFFFEF7, lr;
	s5 =	simm.s32 $0xFFFFFFFF;
	p2 =	slt.u32 s8, $0xFFFFF086  }
0x1c: {  	p1 =	slt.u32 s9, $0xF7A;
	s5 =	simm.s32 @!p2 $0x0  }
0x1d: {  	s5 =	simm.s32 @p1 $0x1;
	p0 =	seq.s32 s7, s2  }
0x1e: {  	s7 =	smul.u32 @!p0 $0xF7A, s2;
	p2 =	seq.s32 @!p0 s5, $0x0  }
0x1f: {  	s9 =	smul.u32 $0xF7A, s1;
	s8 =	simm.s32 @!p0 $0x1BF5;
	p2 =	por !p2, p0  }
0x20: {  	[sflag:s8] =	ssyncset.s32 @!p0 $0xFFFFF086;
	s6 =	sadd.s32 @!p0 s3, s7;
	s7 =	simm.s32 @!p0 $0x108  }
0x21: {  	s3 =	sadd.s32 s3, s9;
	s6 =	sadd.s32 @!p0 $0x88, s6;
	s7 =	simm.s32 @p2 $0x1082  }
0x22: {  	[simem:s7], [sflag:s8] =	dma.local @!p0 [hbm:s6], $0xF7A  }
0x23: {  	s9 =	sor.u32 $0xD0000000, s2;
	s6 =	simm.s32 $0x108;
	_ =	swait.ge @!p0 [sflag:s8], $0x0  }
0x24: {  	s3 =	sadd.s32 $0x88, s3;
	s6 =	simm.s32 @!p1 $0x1082;
	[sflag:s4] =	ssyncset.s32 $0xFFFFF086  }
0x25: {  	[simem:s6], [sflag:s4] =	dma.local [hbm:s3], $0xF7A  }
0x26: {  	[smem:$0x3F97] =	sst s1;
	(tag) =	ssettag s2;
	_ =	strace s9  }
0x27: {  	s1 =	sld [smem:$0x3FA7]  }
0x28: {  	s2 =	sld [smem:$0x3FA8]  }
0x29: {  	s4 =	sld [smem:$0x3FAA]  }
0x2a: {  	p0 =	seq.s32 s5, $0x0;
	s5 =	sld [smem:$0x3FAB]  }
0x2b: {  	s6 =	sld [smem:$0x3FAC]  }
0x2c: {  	s7 =	sld [smem:$0x3FAD]  }
0x2d: {  	s3 =	simm.s32 $0x108;
	s8 =	sld [smem:$0x3FAE]  }
0x2e: {  	s3 =	simm.s32 @!p0 $0x1082;
	s9 =	sld [smem:$0x3FAF]  }
0x2f: {  	lr =	sadd.s32 s0, s3;
	s0 =	sld [smem:$0x3FA6]  }
0x30: {  	s3 =	sld [smem:$0x3FA9]  }
0x31: {  	[smem:$0x3FB2] =	sst s10  }
0x32: {  	s10 =	sld [smem:$0x3FB0];
	_ =	sdelay $0x3  }
0x33: {  	p0 =	seq.s32 s10, $0x1;
	s10 =	sld [smem:$0x3FB2];
	_ =	sdelay $0x3  }
0x34: {  	[smem:$0x3FB2] =	sst s10  }
0x35: {  	s10 =	sld [smem:$0x3FB1];
	_ =	sdelay $0x3  }
0x36: {  	p1 =	seq.s32 s10, $0x1;
	s10 =	sld [smem:$0x3FB2];
	_ =	sdelay $0x3  }
0x37: {  	[smem:$0x3FB2] =	sst s10  }
0x38: {  	s10 =	sld [smem:$0x3FB3]  }
0x39: {  	_ = 	snop;
	(pc) =	sbr.ind lr, $3  }
0x3a: {  	_ = 	snop  }
0x3b: {  	_ = 	snop  }
0x3c: {  	p2 =	seq.s32 s10, $0x1;
	s10 =	sld [smem:$0x3FB2]  }
0x3d: {  	_ =	shalt  }
0x3e: {  	_ =	shalt  }
0x3f: {  	_ =	shalt  }
0x40: {  	_ =	shalt  }
0x41: {  	_ =	shalt  }
0x42: {  	_ =	shalt  }
0x43: {  	_ =	shalt  }
0x44: {  	_ =	shalt  }
0x45: {  	_ =	shalt  }
0x46: {  	_ =	shalt  }
0x47: {  	_ =	shalt  }
0x48: {  	_ =	shalt  }
0x49: {  	_ =	shalt  }
0x4a: {  	_ =	shalt  }
0x4b: {  	_ =	shalt  }
0x4c: {  	_ =	shalt  }
0x4d: {  	_ =	shalt  }
0x4e: {  	_ =	shalt  }
0x4f: {  	_ =	shalt  }
0x50: {  	_ =	shalt  }
0x51: {  	_ =	shalt  }
0x52: {  	_ =	shalt  }
0x53: {  	_ =	shalt  }
0x54: {  	_ =	shalt  }
0x55: {  	_ =	shalt  }
0x56: {  	_ =	shalt  }
0x57: {  	_ =	shalt  }
0x58: {  	_ =	shalt  }
0x59: {  	_ =	shalt  }
0x5a: {  	_ =	shalt  }
0x5b: {  	_ =	shalt  }
0x5c: {  	_ =	shalt  }
0x5d: {  	_ =	shalt  }
0x5e: {  	_ =	shalt  }
0x5f: {  	_ =	shalt  }
0x60: {  	_ =	shalt  }
0x61: {  	_ =	shalt  }
0x62: {  	_ =	shalt  }
0x63: {  	_ =	shalt  }
0x64: {  	_ =	shalt  }
0x65: {  	_ =	shalt  }
0x66: {  	_ =	shalt  }
0x67: {  	_ =	shalt  }
0x68: {  	_ =	shalt  }
0x69: {  	_ =	shalt  }
0x6a: {  	_ =	shalt  }
0x6b: {  	_ =	shalt  }
0x6c: {  	_ =	shalt  }
0x6d: {  	_ =	shalt  }
0x6e: {  	_ =	shalt  }
0x6f: {  	_ =	shalt  }
0x70: {  	_ =	shalt  }
0x71: {  	_ =	shalt  }
0x72: {  	_ =	shalt  }
0x73: {  	_ =	shalt  }
0x74: {  	_ =	shalt  }
0x75: {  	_ =	shalt  }
0x76: {  	_ =	shalt  }
0x77: {  	_ =	shalt  }
0x78: {  	_ =	shalt  }
0x79: {  	_ =	shalt  }
0x7a: {  	_ =	shalt  }
0x7b: {  	_ =	shalt  }
0x7c: {  	_ =	shalt  }
0x7d: {  	_ =	shalt  }
0x7e: {  	_ =	shalt  }
0x7f: {  	_ =	shalt  }
0x80: {  	_ =	shalt  }
0x81: {  	_ =	shalt  }
0x82: {  	_ =	shalt  }
0x83: {  	_ =	shalt  }
0x84: {  	_ =	shalt  }
0x85: {  	_ =	shalt  }
0x86: {  	_ =	shalt  }
0x87: {  	_ =	shalt  }
.Lfunc_end0:
.L_simem_size_0:
called_computation_lowered:
.L_overlay_start_0:
0x88: {  	s2 =	sld [smem:$0x3FD9]  }
0x89: {  	s3 =	sld [smem:$0x3FFE];
	_ =	sdelay $0x1  }
0x8a: {  	s1 =	srdreg.scid  }
0x8b: {  	s0 =	sand.u32 $0x1, s1  }
0x8c: {  	s17 =	sshll.u32 s0, $0xA;
	s2 =	sadd.s32 s3, s2  }
0x8d: {  	s2 =	sadd.s32 s2, s17  }
0x8e: {  	[smem:$0x3FBE] =	sst s2  }
0x8f: {  	_ = 	snop  }
0x90: {  	s2 =	sld [smem:$0x3FC9]  }
0x91: {  	s18 =	sld [smem:$0x3FC8]  }
0x92: {  	s4 =	sld [smem:$0x3FC7]  }
0x93: {  	s5 =	sld [smem:$0x3FC6];
	(tm) =	ssettm $0x1  }
0x94: {  	s6 =	sld [smem:$0x3FFB];
	_ =	sdelay $0x3  }
0x95: {  	_ =	strace s6  }
0x96: {  	s6 =	sld [smem:$0x3FFC];
	_ =	sdelay $0x3  }
0x97: {  	_ =	strace s6  }
0x98: {  	s6 =	sld [smem:$0x3FFD];
	_ =	sdelay $0x3  }
0x99: {  	_ =	strace s6  }
0x9a: {  	_ =	strace $0x8FFFFFFF  }
0x9b: {  	s19 =	sld [smem:$0x3FDB];
	_ =	sdelay $0x1  }
0x9c: {  	s7 =	simm.s32 $_scs_section_size  }
0x9d: {  	s8 =	simm.s32 $_size__tile_overlayer_lowered;
	s9 =	simm.s32 $_tile_overlayer_lowered  }
0x9e: {  	s22 =	simm.s32 $0x1BFF;
	s21 =	sshll.u32 s9, $0x1;
	s6 =	sadd.s32 s7, s19  }
0x9f: {  	s10 =	simm.s32 $0x0;
	s20 =	sshll.u32 s8, $0x1;
	s8 =	sadd.s32 s21, s6  }
0xa0: {  	[timem:s10], [sflag:s22] =	dma.local [hbm:s8], s20  }
0xa1: {  	_ =	swait.ge [sflag:s22], s20  }
0xa2: {  	s7 =	ssub.s32 $0x0, s20;
	[sflag:s22] =	ssyncset.done $0x0  }
0xa3: {  	[sflag:s22] =	ssyncadd.s32 s7;
	_ =	sdelay $0x1  }
0xa4: {  	s23 =	simm.s32 $0x1B8B  }
0xa5: {  	_ =	swait.ge [sflag:s23], $0x1  }
0xa6: {  	[sflag:s23] =	ssyncset.done $0x0  }
0xa7: {  	s25 =	simm.s32 $0x1B8E;
	s24 =	sld [smem:$0x3FFE];
	[sflag:s23] =	ssyncadd.s32 $0xFFFFFFFF  }
0xa8: {  	s26 =	simm.s32 $execute0_lowered;
	[smem:$0x3FD2] =	sst s25  }
0xa9: {  	s8 =	sshll.u32 s26, $0x1;
	_ =	strace $0x80000046;
	[dreg:$0x1] =	wrdreg $0xFFFFFFFF  }
0xaa: {  	s28 =	simm.s32 $_size_execute0_lowered;
	s6 =	sadd.s32 s6, s8;
	[dreg:$0x0] =	wrdreg $0x0  }
0xab: {  	s8 =	sshll.u32 s28, $0x1;
	[dreg:$0x2] =	wrdreg s6  }
0xac: {  	[dreg:$0x3] =	wrdreg s8  }
0xad: {  	[dreg:$0x4] =	wrdreg $0xC0  }
0xae: {  	_ =	task [dreg:s10], $0x5FFFF  }
0xaf: {  	[dreg:$0x1] =	wrdreg $0xFFFFFFFF  }
0xb0: {  	[dreg:$0x0] =	wrdreg $0x60  }
0xb1: {  	[dreg:$0x2] =	wrdreg s2  }
0xb2: {  	[dreg:$0x3] =	wrdreg s18  }
0xb3: {  	[dreg:$0x4] =	wrdreg s4  }
0xb4: {  	[dreg:$0x5] =	wrdreg s5  }
0xb5: {  	[dreg:$0x6] =	wrdreg s24  }
0xb6: {  	[dreg:$0x7] =	wrdreg $0x9  }
0xb7: {  	_ =	task.clear_ibuf [dreg:s10], $0x8FFFF;
	_ =	strace $0x90000046  }
0xb8: {  	s29 =	simm.s32 $0x9;
	_ =	strace $0x80000048  }
0xb9: {  	_ =	swait.ge [sflag:s29], $0x1  }
0xba: {  	[sflag:s29] =	ssyncadd.s32 $0xFFFFFFFF  }
0xbb: {  	_ =	strace $0x90000048  }
0xbc: {  	_ =	sfence  }
0xbd: {  	s30 =	sld [smem:$0x0];
	_ =	sdelay $0x2  }
0xbe: {  	s31 =	sshll.u32 s1, $0xD;
	s1 =	sshrl.u32 s1, $0x2  }
0xbf: {  	s3 =	sand.u32 $0x4000, s31;
	s1 =	sadd.s32 s1, s30  }
0xc0: {  	s0 =	sor.u32 s3, s0;
	s1 =	sshll.u32 s1, $0x11  }
0xc1: {  	s0 =	sor.u32 s1, s0  }
0xc2: {  	s0 =	sadd.s32 $0x8F2B, s0  }
0xc3: {  	[sflag:s0] =	ssyncadd.remote.s32 $0x1  }
0xc4: {  	_ =	sfence.sel $0xFFFF  }
0xc5: {  	[dreg:$0x0] =	wrdreg $0xFFFFFFFF;
	(pc) =	sbr.abs _section_cstart, $3  }
0xc6: {  	[dreg:$0x1] =	wrdreg $0xFFFFFFFF  }
0xc7: {  	_ =	task.clear_ibuf [dreg:s10], $0x2FFFF;
	_ =	strace $0x9FFFFFFF  }
0xc8: {  	(tm) =	ssettm $0x7FFFFFFF  }
0xc9: {  	_ =	shalt  }
tec
execute0_lowered:
.L_overlay_start_1:
0x0: {  	(tag) =	ssettag $0x1  }
0x1: {  	s5 =	rddreg [dreg:$0x0]  }
0x2: {  	s16 =	rddreg [dreg:$0x1]  }
0x3: {  	s2 =	rddreg [dreg:$0x2]  }
0x4: {  	s3 =	rddreg [dreg:$0x3]  }
0x5: {  	s15 =	rddreg [dreg:$0x4];
	s4 =	srdreg.scid  }
0x6: {  	s0 =	rddreg [dreg:$0x5];
	s1 =	stileid.u32;
	s17 =	sand.u32 $0x1, s4  }
0x7: {  	s4 =	simm.s32 $0x0;
	s6 =	sshll.u32 s1, $0x7;
	s7 =	sshll.u32 s17, $0x6  }
0x8: {  	[smem:$0x7FF] =	sst s4;
	s18 =	sor.u32 s7, s6  }
0x9: {  	_ =	strace $0x80000047;
	s6 =	sadd.s32 s5, s18;
	s5 =	simm.s32 $0x2  }
0xa: {  	[tilespmem:s4], [sflag:$0x2] =	stream.linear.gather [hbm4b:s6+s4], $0x200, $0x38;
	[tilespmem:$0x10200] =	vst v63  }
0xb: {  	_ =	swait.ge [sflag:s5], $0x200  }
0xc: {  	[sflag:s5] =	ssyncset.done $0x0  }
0xd: {  	s8 =	simm.s32 $0x200;
	s7 =	simm.s32 $0x80;
	[sflag:s5] =	ssyncadd.s32 $0xFFFFFE00  }
0xe: {  	[tilespmem:s8], [sflag:$0x1] =	stream.indirect.gather [hbm4b:s2+s7], $0x80, s4, s7, $0xb8;
	[tilespmem:$0x10200] =	vst v63  }
0xf: {  	s9 =	simm.s32 $0x4200  }
0x10: {  	[tilespmem:s9], [sflag:$0x1] =	stream.indirect.gather [hbm4b:s2+s7], $0x80, s7, s7, $0xb8;
	[tilespmem:$0x10200] =	vst v63  }
0x11: {  	s10 =	simm.s32 $0x100;
	s11 =	simm.s32 $0x8200  }
0x12: {  	[tilespmem:s11], [sflag:$0x1] =	stream.indirect.gather [hbm4b:s2+s7], $0x80, s10, s7, $0xb8;
	[tilespmem:$0x10200] =	vst v63  }
0x13: {  	s12 =	simm.s32 $0x180;
	s13 =	simm.s32 $0xC200;
	s14 =	simm.s32 $0x1  }
0x14: {  	[tilespmem:s13], [sflag:$0x1] =	stream.indirect.gather [hbm4b:s2+s7], $0x80, s12, s7, $0xb8;
	[tilespmem:$0x10200] =	vst v63  }
0x15: {  	_ =	swait.ge [sflag:s14], $0x4000  }
0x16: {  	[sflag:s14] =	ssyncset.done $0x0  }
0x17: {  	[sflag:s14] =	ssyncadd.s32 $0xFFFFC000  }
0x18: {  	_ =	swait.ge [sflag:s14], $0x4000  }
0x19: {  	[sflag:s14] =	ssyncset.done $0x0  }
0x1a: {  	[sflag:s14] =	ssyncadd.s32 $0xFFFFC000  }
0x1b: {  	_ =	swait.ge [sflag:s14], $0x4000  }
0x1c: {  	[sflag:s14] =	ssyncset.done $0x0  }
0x1d: {  	s19 =	sshll.u32 s1, $0xE;
	s20 =	sshll.u32 s17, $0xD;
	[sflag:s14] =	ssyncadd.s32 $0xFFFFC000  }
0x1e: {  	s19 =	sor.u32 s20, s19;
	_ =	swait.ge [sflag:s14], $0x4000  }
0x1f: {  	s19 =	sadd.s32 s19, s15;
	[sflag:s14] =	ssyncset.done $0x0  }
0x20: {  	s15 =	sadd.s32 $0x1200, s19;
	[sflag:s14] =	ssyncadd.s32 $0xFFFFC000  }
0x21: {  	[hbm4b:s15+s4] =	stream.linear.scatter [tilespmem:s8], [sflag:$0x2], $0x10000, $0x38;
	[tilespmem:$0x10200] =	vst v63  }
0x22: {  	_ =	swait.ge [sflag:s5], $0x10000  }
0x23: {  	[sflag:s5] =	ssyncset.done $0x0  }
0x24: {  	s16 =	sadd.s32 s16, s18;
	[sflag:s5] =	ssyncadd.s32 $0xFFFF0000  }
0x25: {  	[tilespmem:s4], [sflag:$0x2] =	stream.linear.gather [hbm4b:s16+s4], $0x200, $0x38;
	[tilespmem:$0x10200] =	vst v63  }
0x26: {  	_ =	swait.ge [sflag:s5], $0x200  }
0x27: {  	[sflag:s5] =	ssyncset.done $0x0  }
0x28: {  	[sflag:s5] =	ssyncadd.s32 $0xFFFFFE00  }
0x29: {  	[tilespmem:s8], [sflag:$0x1] =	stream.indirect.gather [hbm4b:s3+s7], $0x80, s4, s7, $0xb8;
	[tilespmem:$0x10200] =	vst v63  }
0x2a: {  	_ = 	snop  }
0x2b: {  	[tilespmem:s9], [sflag:$0x1] =	stream.indirect.gather [hbm4b:s3+s7], $0x80, s7, s7, $0xb8;
	[tilespmem:$0x10200] =	vst v63  }
0x2c: {  	_ = 	snop  }
0x2d: {  	[tilespmem:s11], [sflag:$0x1] =	stream.indirect.gather [hbm4b:s3+s7], $0x80, s10, s7, $0xb8;
	[tilespmem:$0x10200] =	vst v63  }
0x2e: {  	_ = 	snop  }
0x2f: {  	[tilespmem:s13], [sflag:$0x1] =	stream.indirect.gather [hbm4b:s3+s7], $0x80, s12, s7, $0xb8;
	[tilespmem:$0x10200] =	vst v63  }
0x30: {  	_ =	swait.ge [sflag:s14], $0x4000  }
0x31: {  	[sflag:s14] =	ssyncset.done $0x0  }
0x32: {  	[sflag:s14] =	ssyncadd.s32 $0xFFFFC000  }
0x33: {  	_ =	swait.ge [sflag:s14], $0x4000  }
0x34: {  	[sflag:s14] =	ssyncset.done $0x0  }
0x35: {  	s17 =	ssub.s32 $0x2, s17;
	[sflag:s14] =	ssyncadd.s32 $0xFFFFC000  }
0x36: {  	s31 =	sshrl.u32 s17, $0x1;
	_ =	swait.ge [sflag:s14], $0x4000  }
0x37: {  	s18 =	ssub.s32 s17, s31;
	[sflag:s14] =	ssyncset.done $0x0  }
0x38: {  	s18 =	smax.u32 s18, $0x1;
	[sflag:s14] =	ssyncadd.s32 $0xFFFFC000  }
0x39: {  	p0 =	sne.s32 s18, $0x1;
	_ =	swait.ge [sflag:s14], $0x4000  }
.Ltmp0:
0x3a: {  	[sflag:s14] =	ssyncset.done $0x0;
	(pc) =	sbr.rel @!p0 .LBB2_2-.Ltmp0, $4  }
0x3b: {  	s17 =	sadd.s32 $0x41200, s19;
	[sflag:s14] =	ssyncadd.s32 $0xFFFFC000  }
0x3c: {  	[hbm4b:s17+s4] =	stream.linear.scatter [tilespmem:s8], [sflag:$0x2], $0x10000, $0x38;
	[tilespmem:$0x10200] =	vst v63  }
0x3d: {  	_ =	swait.ge [sflag:s5], $0x10000  }
0x3e: {  	s18 =	sadd.s32 $0xFFFFFFFF, s18;
	[sflag:s5] =	ssyncset.done $0x0  }
.LBB2_1:
0x3f: {  	p0 =	sne.s32 s18, $0x1;
	s18 =	sadd.s32 $0xFFFFFFFF, s18;
	[sflag:s5] =	ssyncadd.s32 $0xFFFF0000  }
0x40: {  	[tilespmem:s4], [sflag:$0x2] =	stream.linear.gather [hbm4b:s6+s4], $0x200, $0x38;
	[tilespmem:$0x10200] =	vst v63  }
0x41: {  	_ =	swait.ge [sflag:s5], $0x200  }
0x42: {  	[sflag:s5] =	ssyncset.done $0x0  }
0x43: {  	[sflag:s5] =	ssyncadd.s32 $0xFFFFFE00  }
0x44: {  	[tilespmem:s8], [sflag:$0x1] =	stream.indirect.gather [hbm4b:s2+s7], $0x80, s4, s7, $0xb8;
	[tilespmem:$0x10200] =	vst v63  }
0x45: {  	_ = 	snop  }
0x46: {  	[tilespmem:s9], [sflag:$0x1] =	stream.indirect.gather [hbm4b:s2+s7], $0x80, s7, s7, $0xb8;
	[tilespmem:$0x10200] =	vst v63  }
0x47: {  	_ = 	snop  }
0x48: {  	[tilespmem:s11], [sflag:$0x1] =	stream.indirect.gather [hbm4b:s2+s7], $0x80, s10, s7, $0xb8;
	[tilespmem:$0x10200] =	vst v63  }
0x49: {  	_ = 	snop  }
0x4a: {  	[tilespmem:s13], [sflag:$0x1] =	stream.indirect.gather [hbm4b:s2+s7], $0x80, s12, s7, $0xb8;
	[tilespmem:$0x10200] =	vst v63  }
0x4b: {  	_ =	swait.ge [sflag:s14], $0x4000  }
0x4c: {  	[sflag:s14] =	ssyncset.done $0x0  }
0x4d: {  	[sflag:s14] =	ssyncadd.s32 $0xFFFFC000  }
0x4e: {  	_ =	swait.ge [sflag:s14], $0x4000  }
0x4f: {  	[sflag:s14] =	ssyncset.done $0x0  }
0x50: {  	[sflag:s14] =	ssyncadd.s32 $0xFFFFC000  }
0x51: {  	_ =	swait.ge [sflag:s14], $0x4000  }
0x52: {  	[sflag:s14] =	ssyncset.done $0x0  }
0x53: {  	[sflag:s14] =	ssyncadd.s32 $0xFFFFC000  }
0x54: {  	_ =	swait.ge [sflag:s14], $0x4000  }
0x55: {  	[sflag:s14] =	ssyncset.done $0x0  }
0x56: {  	[sflag:s14] =	ssyncadd.s32 $0xFFFFC000  }
0x57: {  	[hbm4b:s15+s4] =	stream.linear.scatter [tilespmem:s8], [sflag:$0x2], $0x10000, $0x38;
	[tilespmem:$0x10200] =	vst v63  }
0x58: {  	_ =	swait.ge [sflag:s5], $0x10000  }
0x59: {  	[sflag:s5] =	ssyncset.done $0x0  }
0x5a: {  	[sflag:s5] =	ssyncadd.s32 $0xFFFF0000  }
0x5b: {  	[tilespmem:s4], [sflag:$0x2] =	stream.linear.gather [hbm4b:s16+s4], $0x200, $0x38;
	[tilespmem:$0x10200] =	vst v63  }
0x5c: {  	_ =	swait.ge [sflag:s5], $0x200  }
0x5d: {  	[sflag:s5] =	ssyncset.done $0x0  }
0x5e: {  	[sflag:s5] =	ssyncadd.s32 $0xFFFFFE00  }
0x5f: {  	[tilespmem:s8], [sflag:$0x1] =	stream.indirect.gather [hbm4b:s3+s7], $0x80, s4, s7, $0xb8;
	[tilespmem:$0x10200] =	vst v63  }
0x60: {  	_ = 	snop  }
0x61: {  	[tilespmem:s9], [sflag:$0x1] =	stream.indirect.gather [hbm4b:s3+s7], $0x80, s7, s7, $0xb8;
	[tilespmem:$0x10200] =	vst v63  }
0x62: {  	_ = 	snop  }
0x63: {  	[tilespmem:s11], [sflag:$0x1] =	stream.indirect.gather [hbm4b:s3+s7], $0x80, s10, s7, $0xb8;
	[tilespmem:$0x10200] =	vst v63  }
0x64: {  	_ = 	snop  }
0x65: {  	[tilespmem:s13], [sflag:$0x1] =	stream.indirect.gather [hbm4b:s3+s7], $0x80, s12, s7, $0xb8;
	[tilespmem:$0x10200] =	vst v63  }
0x66: {  	_ =	swait.ge [sflag:s14], $0x4000  }
0x67: {  	[sflag:s14] =	ssyncset.done $0x0  }
0x68: {  	[sflag:s14] =	ssyncadd.s32 $0xFFFFC000  }
0x69: {  	_ =	swait.ge [sflag:s14], $0x4000  }
0x6a: {  	[sflag:s14] =	ssyncset.done $0x0  }
0x6b: {  	[sflag:s14] =	ssyncadd.s32 $0xFFFFC000  }
0x6c: {  	_ =	swait.ge [sflag:s14], $0x4000  }
0x6d: {  	[sflag:s14] =	ssyncset.done $0x0  }
0x6e: {  	[sflag:s14] =	ssyncadd.s32 $0xFFFFC000  }
0x6f: {  	_ =	swait.ge [sflag:s14], $0x4000  }
.Ltmp1:
0x70: {  	[sflag:s14] =	ssyncset.done $0x0;
	(pc) =	sbr.rel @p0 .LBB2_1-.Ltmp1, $4  }
0x71: {  	[sflag:s14] =	ssyncadd.s32 $0xFFFFC000  }
0x72: {  	[hbm4b:s17+s4] =	stream.linear.scatter [tilespmem:s8], [sflag:$0x2], $0x10000, $0x38;
	[tilespmem:$0x10200] =	vst v63  }
0x73: {  	_ =	swait.ge [sflag:s5], $0x10000  }
0x74: {  	[sflag:s5] =	ssyncset.done $0x0  }
.LBB2_2:
0x75: {  	[sflag:s5] =	ssyncadd.s32 $0xFFFF0000  }
0x76: {  	_ =	sfence.sel $0x180000  }
0x77: {  	[bflag:$0x0] =	sbarrier.arrive $0xFFFF  }
0x78: {  	p0 =	sne.s32 s1, $0x0;
	_ =	strace $0x90000047  }
0x79: {  	s0 =	sadd.s32 @!p0 $0x100000, s0;
	[bflag:$0x2] =	sbarrier.arrive $0xFFFF  }
0x7a: {  	[sflag:s0] =	ssyncadd.tile.s32 @!p0 $0x1;
	_ =	shalt  }
.Lfunc_end2:
_tile_overlayer_lowered:
.L_overlay_start_2:
0x7b: {  	(tag) =	ssettag $0x2  }
0x7c: {  	s0 =	rddreg [dreg:$0x0];
	s2 =	stileid.u32  }
0x7d: {  	s1 =	rddreg [dreg:$0x1];
	p0 =	sne.s32 s2, $0x0  }
0x7e: {  	s3 =	rddreg [dreg:$0x2];
	[bflag:$0x3] =	sbarrier.arrive $0xFFFF;
	s2 =	simm.s32 @!p0 $0x1C02  }
0x7f: {  	[timem:s3], [sflag:s2] =	dma.local @!p0 [hbm:s0], s1  }
0x80: {  	s0 =	simm.s32 @!p0 $0x2  }
0x81: {  	_ =	swait.ge @!p0 [sflag:s0], s1  }
0x82: {  	s1 =	ssub.s32 @!p0 $0x0, s1;
	[sflag:s0] =	ssyncset.done @!p0 $0x0  }
0x83: {  	[sflag:s0] =	ssyncadd.s32 @!p0 s1  }
0x84: {  	[bflag:$0x3] =	sbarrier.arrive $0xFFFF  }
0x85: {  	_ =	shalt  }

</sc_bundles>
